<compile_context>
chip_gen: v7x
topology: tpu7x:2x2x1
jax: 0.10.2.dev20260603
libtpu: 0.0.44.dev20260713+nightly
codegen_flags: <defaults>
</compile_context>

<pallas_src>
import dataclasses
import functools

import jax
import jax.numpy as jnp
from jax import lax
from jax.experimental import pallas as pl
from jax.experimental.pallas import tpu as pltpu
from jax.experimental.pallas import tpu_sc as plsc

SEQ = 200
BATCH = 4096
D = 128
NC = 2
NS = 16
NW = NC * NS
BW = BATCH // NW


def _body(sent_ref, len_ref, tab_ref, out_ref,
          idx_v, b0, b1, b2, b3,
          s0, s1, s2, s3):
    cid = lax.axis_index("c")
    sid = lax.axis_index("s")
    wid = cid * NS + sid
    base = wid * BW

    pltpu.sync_copy(sent_ref.at[:, pl.ds(base, BW)], idx_v)

    def gather(t, buf, sem):
        pltpu.async_copy(tab_ref.at[idx_v.at[t]], buf, sem)

    def gather_wait(t, buf, sem):
        pltpu.make_async_copy(tab_ref.at[idx_v.at[t]], buf, sem).wait()

    gather(0, b0, s0)
    gather(1, b1, s1)
    gather(2, b2, s2)
    gather(3, b3, s3)

    @pl.loop(0, SEQ, step=4)
    def _(g):
        gather_wait(g, b0, s0)

        @pl.when(g + 4 < SEQ)
        def _():
            gather(g + 4, b0, s0)

        gather_wait(g + 1, b1, s1)

        @pl.when(g + 5 < SEQ)
        def _():
            gather(g + 5, b1, s1)

        gather_wait(g + 2, b2, s2)

        @pl.when(g + 6 < SEQ)
        def _():
            gather(g + 6, b2, s2)

        gather_wait(g + 3, b3, s3)

        @pl.when(g + 7 < SEQ)
        def _():
            gather(g + 7, b3, s3)

    pltpu.sync_copy(b0, out_ref.at[pl.ds(base, BW)])


def kernel(sentence, sentence_len, embedding_weight):
    mesh = plsc.VectorSubcoreMesh(core_axis_name="c", subcore_axis_name="s")
    cp = pltpu.CompilerParams()
    if "needs_layout_passes" in pltpu.CompilerParams.__dataclass_fields__:
        cp = dataclasses.replace(cp, needs_layout_passes=False)
    run = functools.partial(
        pl.kernel,
        compiler_params=cp,
        out_type=jax.ShapeDtypeStruct((BATCH, D), jnp.float32),
        mesh=mesh,
        scratch_types=[
            pltpu.VMEM((SEQ, BW), jnp.int32),
            pltpu.VMEM((BW, D), jnp.float32),
            pltpu.VMEM((BW, D), jnp.float32),
            pltpu.VMEM((BW, D), jnp.float32),
            pltpu.VMEM((BW, D), jnp.float32),
            pltpu.SemaphoreType.DMA,
            pltpu.SemaphoreType.DMA,
            pltpu.SemaphoreType.DMA,
            pltpu.SemaphoreType.DMA,
        ],
    )(_body)
    return run(sentence, sentence_len, embedding_weight)

# --- scband reference (transcript-rebuilt; emitter-appended) ---
"""Pipeline reference for scband-average-baseline-65876208386218 (READ-ONLY COPY).

The authoritative reference and input builder live on the scoring server;
editing this copy changes nothing except your own understanding.
"""

import jax, jax.numpy as jnp
import numpy as np

VOCAB = 100000
EMBED_DIM = 128
SEQ_LEN = 200
BATCH = 4096

def setup_inputs(seed: int = 0) -> dict:
    key = jax.random.key(seed)
    k1, k2, k3 = jax.random.split(key, 3)
    sentence = jax.random.randint(k1, (SEQ_LEN, BATCH), 0, VOCAB, dtype=jnp.int32)
    # lengths must be >= 1 to avoid division by zero
    sentence_len = jax.random.randint(k2, (BATCH,), 1, SEQ_LEN + 1, dtype=jnp.int32)
    embedding_weight = jax.random.normal(k3, (VOCAB, EMBED_DIM), dtype=jnp.float32)
    return {"sentence": sentence, "sentence_len": sentence_len, "embedding_weight": embedding_weight}

def reference(sentence, sentence_len, embedding_weight):
    # embed = self.embedding(sentence) -> [SEQ_LEN, BATCH, EMBED_DIM]
    embed = jnp.take(embedding_weight, sentence, axis=0)
    # out = torch.sum(embed, dim=0) / sentence_len.unsqueeze(1).float()
    out = jnp.sum(embed, axis=0) / sentence_len[:, None].astype(jnp.float32)
    return out

if __name__ == "__main__":
    import jax
    _d = setup_inputs()
    print(jax.jit(kernel)(*tuple(_d.values())))

</pallas_src>

<mosaic_0001>
#map = affine_map<(d0, d1) -> (0, 0)>
#map1 = affine_map<(d0, d1) -> (0)>
module attributes {stable_mosaic.version = 14 : i64} {
  func.func @_body(%arg0: i32, %arg1: i32, %arg2: memref<200x4096xi32, #tpu.memory_space<hbm>>, %arg3: memref<4096xi32, #tpu.memory_space<hbm>>, %arg4: memref<100000x128xf32, #tpu.memory_space<hbm>>, %arg5: memref<4096x128xf32, #tpu.memory_space<hbm>>, %arg6: memref<200x128xi32, #tpu.memory_space<vmem>>, %arg7: memref<128x128xf32, #tpu.memory_space<vmem>>, %arg8: memref<128x128xf32, #tpu.memory_space<vmem>>, %arg9: memref<128x128xf32, #tpu.memory_space<vmem>>, %arg10: memref<128x128xf32, #tpu.memory_space<vmem>>, %arg11: memref<!tpu.dma_semaphore, #tpu.memory_space<semaphore_mem>>, %arg12: memref<!tpu.dma_semaphore, #tpu.memory_space<semaphore_mem>>, %arg13: memref<!tpu.dma_semaphore, #tpu.memory_space<semaphore_mem>>, %arg14: memref<!tpu.dma_semaphore, #tpu.memory_space<semaphore_mem>>) attributes {dimension_semantics = [#tpu.dimension_semantics<core_parallel>, #tpu.dimension_semantics<subcore_parallel>], iteration_bounds = array<i64: 2, 16>, scalar_prefetch = 0 : i64, scratch_operands = 9 : i64, tpu.core_type = #tpu.core_type<sc_vector_subcore>, window_params = [{transform_indices = #map}, {transform_indices = #map1}, {transform_indices = #map}, {transform_indices = #map}]} {
    %mul3A = arith.constant 16 : i32
    %mul3A_0 = arith.muli %arg0, %mul3A : i32
    %add3A = arith.addi %mul3A_0, %arg1 : i32
    %mul3A_1 = arith.constant 128 : i32
    %mul3A_2 = arith.muli %add3A, %mul3A_1 : i32
    "tpu.region"() ({
      %run_scoped3A = tpu.sem_alloc : memref<!tpu.dma_semaphore, #tpu.memory_space<semaphore_mem>>
      %dma_start3A_34 = arith.constant 0 : i32
      %dma_start3A_35 = tpu.memref_slice %arg2[%dma_start3A_34, %mul3A_2] : memref<200x4096xi32, #tpu.memory_space<hbm>> -> memref<200x128xi32, #tpu.memory_space<hbm>>
      %dma_start3A_36 = arith.constant 0 : i32
      %dma_start3A_37 = tpu.memref_slice %arg2[%dma_start3A_36, %mul3A_2] : memref<200x4096xi32, #tpu.memory_space<hbm>> -> memref<200x128xi32, #tpu.memory_space<hbm>>
      tpu.enqueue_dma source(%dma_start3A_37 : memref<200x128xi32, #tpu.memory_space<hbm>>) target(%arg6 : memref<200x128xi32, #tpu.memory_space<vmem>>) target_semaphore(%run_scoped3A : memref<!tpu.dma_semaphore, #tpu.memory_space<semaphore_mem>>)
      %dma_wait3A = arith.constant 0 : i32
      %dma_wait3A_38 = tpu.memref_slice %arg2[%dma_wait3A, %mul3A_2] : memref<200x4096xi32, #tpu.memory_space<hbm>> -> memref<200x128xi32, #tpu.memory_space<hbm>>
      %dma_wait3A_39 = arith.constant 0 : i32
      %dma_wait3A_40 = tpu.memref_slice %arg2[%dma_wait3A_39, %mul3A_2] : memref<200x4096xi32, #tpu.memory_space<hbm>> -> memref<200x128xi32, #tpu.memory_space<hbm>>
      tpu.wait_dma2 semaphore(%run_scoped3A : memref<!tpu.dma_semaphore, #tpu.memory_space<semaphore_mem>>) src(%dma_wait3A_40 : memref<200x128xi32, #tpu.memory_space<hbm>>) dst(%arg6 : memref<200x128xi32, #tpu.memory_space<vmem>>)
      tpu.yield
    }) : () -> ()
    %dma_start3A = arith.constant 0 : i32
    %dma_start3A_3 = arith.constant 0 : i32
    %dma_start3A_4 = tpu.memref_slice %arg6[%dma_start3A, %dma_start3A_3] : memref<200x128xi32, #tpu.memory_space<vmem>> -> memref<1x128xi32, #tpu.memory_space<vmem>>
    %dma_start3A_5 = tpu.memref_squeeze %dma_start3A_4 : memref<1x128xi32, #tpu.memory_space<vmem>> -> memref<128xi32, #tpu.memory_space<vmem>>
    %dma_start3A_6 = arith.constant 0 : i32
    %dma_start3A_7 = arith.constant 0 : i32
    %dma_start3A_8 = tpu.memref_slice %arg4[%dma_start3A_6, %dma_start3A_7] : memref<100000x128xf32, #tpu.memory_space<hbm>> -> memref<100000x128xf32, #tpu.memory_space<hbm>>
    tpu.enqueue_indirect_dma source(%dma_start3A_8 : memref<100000x128xf32, #tpu.memory_space<hbm>>) target(%arg7 : memref<128x128xf32, #tpu.memory_space<vmem>>) offsets(%dma_start3A_5 : memref<128xi32, #tpu.memory_space<vmem>>) semaphore(%arg11 : memref<!tpu.dma_semaphore, #tpu.memory_space<semaphore_mem>>)
    %dma_start3A_9 = arith.constant 1 : i32
    %dma_start3A_10 = arith.constant 0 : i32
    %dma_start3A_11 = tpu.memref_slice %arg6[%dma_start3A_9, %dma_start3A_10] : memref<200x128xi32, #tpu.memory_space<vmem>> -> memref<1x128xi32, #tpu.memory_space<vmem>>
    %dma_start3A_12 = tpu.memref_squeeze %dma_start3A_11 : memref<1x128xi32, #tpu.memory_space<vmem>> -> memref<128xi32, #tpu.memory_space<vmem>>
    %dma_start3A_13 = arith.constant 0 : i32
    %dma_start3A_14 = arith.constant 0 : i32
    %dma_start3A_15 = tpu.memref_slice %arg4[%dma_start3A_13, %dma_start3A_14] : memref<100000x128xf32, #tpu.memory_space<hbm>> -> memref<100000x128xf32, #tpu.memory_space<hbm>>
    tpu.enqueue_indirect_dma source(%dma_start3A_15 : memref<100000x128xf32, #tpu.memory_space<hbm>>) target(%arg8 : memref<128x128xf32, #tpu.memory_space<vmem>>) offsets(%dma_start3A_12 : memref<128xi32, #tpu.memory_space<vmem>>) semaphore(%arg12 : memref<!tpu.dma_semaphore, #tpu.memory_space<semaphore_mem>>)
    %dma_start3A_16 = arith.constant 2 : i32
    %dma_start3A_17 = arith.constant 0 : i32
    %dma_start3A_18 = tpu.memref_slice %arg6[%dma_start3A_16, %dma_start3A_17] : memref<200x128xi32, #tpu.memory_space<vmem>> -> memref<1x128xi32, #tpu.memory_space<vmem>>
    %dma_start3A_19 = tpu.memref_squeeze %dma_start3A_18 : memref<1x128xi32, #tpu.memory_space<vmem>> -> memref<128xi32, #tpu.memory_space<vmem>>
    %dma_start3A_20 = arith.constant 0 : i32
    %dma_start3A_21 = arith.constant 0 : i32
    %dma_start3A_22 = tpu.memref_slice %arg4[%dma_start3A_20, %dma_start3A_21] : memref<100000x128xf32, #tpu.memory_space<hbm>> -> memref<100000x128xf32, #tpu.memory_space<hbm>>
    tpu.enqueue_indirect_dma source(%dma_start3A_22 : memref<100000x128xf32, #tpu.memory_space<hbm>>) target(%arg9 : memref<128x128xf32, #tpu.memory_space<vmem>>) offsets(%dma_start3A_19 : memref<128xi32, #tpu.memory_space<vmem>>) semaphore(%arg13 : memref<!tpu.dma_semaphore, #tpu.memory_space<semaphore_mem>>)
    %dma_start3A_23 = arith.constant 3 : i32
    %dma_start3A_24 = arith.constant 0 : i32
    %dma_start3A_25 = tpu.memref_slice %arg6[%dma_start3A_23, %dma_start3A_24] : memref<200x128xi32, #tpu.memory_space<vmem>> -> memref<1x128xi32, #tpu.memory_space<vmem>>
    %dma_start3A_26 = tpu.memref_squeeze %dma_start3A_25 : memref<1x128xi32, #tpu.memory_space<vmem>> -> memref<128xi32, #tpu.memory_space<vmem>>
    %dma_start3A_27 = arith.constant 0 : i32
    %dma_start3A_28 = arith.constant 0 : i32
    %dma_start3A_29 = tpu.memref_slice %arg4[%dma_start3A_27, %dma_start3A_28] : memref<100000x128xf32, #tpu.memory_space<hbm>> -> memref<100000x128xf32, #tpu.memory_space<hbm>>
    tpu.enqueue_indirect_dma source(%dma_start3A_29 : memref<100000x128xf32, #tpu.memory_space<hbm>>) target(%arg10 : memref<128x128xf32, #tpu.memory_space<vmem>>) offsets(%dma_start3A_26 : memref<128xi32, #tpu.memory_space<vmem>>) semaphore(%arg14 : memref<!tpu.dma_semaphore, #tpu.memory_space<semaphore_mem>>)
    %scan3A = arith.constant 0 : i32
    %scan3A_30 = arith.constant 50 : i32
    %scan3A_31 = arith.addi %scan3A, %scan3A_30 : i32
    %scan3A_32 = arith.constant 1 : i32
    scf.for %scan3A_34 = %scan3A to %scan3A_31 step %scan3A_32  : i32 {
      %mul3A_35 = arith.constant 4 : i32
      %mul3A_36 = arith.muli %scan3A_34, %mul3A_35 : i32
      %add3A_37 = arith.constant 0 : i32
      %add3A_38 = arith.addi %add3A_37, %mul3A_36 : i32
      %dma_wait3A = arith.constant 0 : i32
      %dma_wait3A_39 = tpu.memref_slice %arg6[%add3A_38, %dma_wait3A] : memref<200x128xi32, #tpu.memory_space<vmem>> -> memref<1x128xi32, #tpu.memory_space<vmem>>
      %dma_wait3A_40 = tpu.memref_squeeze %dma_wait3A_39 : memref<1x128xi32, #tpu.memory_space<vmem>> -> memref<128xi32, #tpu.memory_space<vmem>>
      %dma_wait3A_41 = arith.constant 0 : i32
      %dma_wait3A_42 = arith.constant 0 : i32
      %dma_wait3A_43 = tpu.memref_slice %arg4[%dma_wait3A_41, %dma_wait3A_42] : memref<100000x128xf32, #tpu.memory_space<hbm>> -> memref<100000x128xf32, #tpu.memory_space<hbm>>
      tpu.wait_indirect_dma semaphore(%arg11 : memref<!tpu.dma_semaphore, #tpu.memory_space<semaphore_mem>>) src(%dma_wait3A_43 : memref<100000x128xf32, #tpu.memory_space<hbm>>) dst(%arg7 : memref<128x128xf32, #tpu.memory_space<vmem>>)
      %add3A_44 = arith.constant 4 : i32
      %add3A_45 = arith.addi %add3A_38, %add3A_44 : i32
      %lt3A = arith.constant 200 : i32
      %lt3A_46 = arith.cmpi slt, %add3A_45, %lt3A : i32
      %convert_element_type3A = arith.extui %lt3A_46 : i1 to i32
      %cond3A = arith.constant 0 : i32
      %cond3A_47 = arith.cmpi ne, %convert_element_type3A, %cond3A : i32
      scf.if %cond3A_47 {
        %add3A_93 = arith.constant 4 : i32
        %add3A_94 = arith.addi %add3A_38, %add3A_93 : i32
        %dma_start3A_95 = arith.constant 0 : i32
        %dma_start3A_96 = tpu.memref_slice %arg6[%add3A_94, %dma_start3A_95] : memref<200x128xi32, #tpu.memory_space<vmem>> -> memref<1x128xi32, #tpu.memory_space<vmem>>
        %dma_start3A_97 = tpu.memref_squeeze %dma_start3A_96 : memref<1x128xi32, #tpu.memory_space<vmem>> -> memref<128xi32, #tpu.memory_space<vmem>>
        %dma_start3A_98 = arith.constant 0 : i32
        %dma_start3A_99 = arith.constant 0 : i32
        %dma_start3A_100 = tpu.memref_slice %arg4[%dma_start3A_98, %dma_start3A_99] : memref<100000x128xf32, #tpu.memory_space<hbm>> -> memref<100000x128xf32, #tpu.memory_space<hbm>>
        tpu.enqueue_indirect_dma source(%dma_start3A_100 : memref<100000x128xf32, #tpu.memory_space<hbm>>) target(%arg7 : memref<128x128xf32, #tpu.memory_space<vmem>>) offsets(%dma_start3A_97 : memref<128xi32, #tpu.memory_space<vmem>>) semaphore(%arg11 : memref<!tpu.dma_semaphore, #tpu.memory_space<semaphore_mem>>)
      } else {
      }
      %add3A_48 = arith.constant 1 : i32
      %add3A_49 = arith.addi %add3A_38, %add3A_48 : i32
      %dma_wait3A_50 = arith.constant 0 : i32
      %dma_wait3A_51 = tpu.memref_slice %arg6[%add3A_49, %dma_wait3A_50] : memref<200x128xi32, #tpu.memory_space<vmem>> -> memref<1x128xi32, #tpu.memory_space<vmem>>
      %dma_wait3A_52 = tpu.memref_squeeze %dma_wait3A_51 : memref<1x128xi32, #tpu.memory_space<vmem>> -> memref<128xi32, #tpu.memory_space<vmem>>
      %dma_wait3A_53 = arith.constant 0 : i32
      %dma_wait3A_54 = arith.constant 0 : i32
      %dma_wait3A_55 = tpu.memref_slice %arg4[%dma_wait3A_53, %dma_wait3A_54] : memref<100000x128xf32, #tpu.memory_space<hbm>> -> memref<100000x128xf32, #tpu.memory_space<hbm>>
      tpu.wait_indirect_dma semaphore(%arg12 : memref<!tpu.dma_semaphore, #tpu.memory_space<semaphore_mem>>) src(%dma_wait3A_55 : memref<100000x128xf32, #tpu.memory_space<hbm>>) dst(%arg8 : memref<128x128xf32, #tpu.memory_space<vmem>>)
      %add3A_56 = arith.constant 5 : i32
      %add3A_57 = arith.addi %add3A_38, %add3A_56 : i32
      %lt3A_58 = arith.constant 200 : i32
      %lt3A_59 = arith.cmpi slt, %add3A_57, %lt3A_58 : i32
      %convert_element_type3A_60 = arith.extui %lt3A_59 : i1 to i32
      %cond3A_61 = arith.constant 0 : i32
      %cond3A_62 = arith.cmpi ne, %convert_element_type3A_60, %cond3A_61 : i32
      scf.if %cond3A_62 {
        %add3A_93 = arith.constant 5 : i32
        %add3A_94 = arith.addi %add3A_38, %add3A_93 : i32
        %dma_start3A_95 = arith.constant 0 : i32
        %dma_start3A_96 = tpu.memref_slice %arg6[%add3A_94, %dma_start3A_95] : memref<200x128xi32, #tpu.memory_space<vmem>> -> memref<1x128xi32, #tpu.memory_space<vmem>>
        %dma_start3A_97 = tpu.memref_squeeze %dma_start3A_96 : memref<1x128xi32, #tpu.memory_space<vmem>> -> memref<128xi32, #tpu.memory_space<vmem>>
        %dma_start3A_98 = arith.constant 0 : i32
        %dma_start3A_99 = arith.constant 0 : i32
        %dma_start3A_100 = tpu.memref_slice %arg4[%dma_start3A_98, %dma_start3A_99] : memref<100000x128xf32, #tpu.memory_space<hbm>> -> memref<100000x128xf32, #tpu.memory_space<hbm>>
        tpu.enqueue_indirect_dma source(%dma_start3A_100 : memref<100000x128xf32, #tpu.memory_space<hbm>>) target(%arg8 : memref<128x128xf32, #tpu.memory_space<vmem>>) offsets(%dma_start3A_97 : memref<128xi32, #tpu.memory_space<vmem>>) semaphore(%arg12 : memref<!tpu.dma_semaphore, #tpu.memory_space<semaphore_mem>>)
      } else {
      }
      %add3A_63 = arith.constant 2 : i32
      %add3A_64 = arith.addi %add3A_38, %add3A_63 : i32
      %dma_wait3A_65 = arith.constant 0 : i32
      %dma_wait3A_66 = tpu.memref_slice %arg6[%add3A_64, %dma_wait3A_65] : memref<200x128xi32, #tpu.memory_space<vmem>> -> memref<1x128xi32, #tpu.memory_space<vmem>>
      %dma_wait3A_67 = tpu.memref_squeeze %dma_wait3A_66 : memref<1x128xi32, #tpu.memory_space<vmem>> -> memref<128xi32, #tpu.memory_space<vmem>>
      %dma_wait3A_68 = arith.constant 0 : i32
      %dma_wait3A_69 = arith.constant 0 : i32
      %dma_wait3A_70 = tpu.memref_slice %arg4[%dma_wait3A_68, %dma_wait3A_69] : memref<100000x128xf32, #tpu.memory_space<hbm>> -> memref<100000x128xf32, #tpu.memory_space<hbm>>
      tpu.wait_indirect_dma semaphore(%arg13 : memref<!tpu.dma_semaphore, #tpu.memory_space<semaphore_mem>>) src(%dma_wait3A_70 : memref<100000x128xf32, #tpu.memory_space<hbm>>) dst(%arg9 : memref<128x128xf32, #tpu.memory_space<vmem>>)
      %add3A_71 = arith.constant 6 : i32
      %add3A_72 = arith.addi %add3A_38, %add3A_71 : i32
      %lt3A_73 = arith.constant 200 : i32
      %lt3A_74 = arith.cmpi slt, %add3A_72, %lt3A_73 : i32
      %convert_element_type3A_75 = arith.extui %lt3A_74 : i1 to i32
      %cond3A_76 = arith.constant 0 : i32
      %cond3A_77 = arith.cmpi ne, %convert_element_type3A_75, %cond3A_76 : i32
      scf.if %cond3A_77 {
        %add3A_93 = arith.constant 6 : i32
        %add3A_94 = arith.addi %add3A_38, %add3A_93 : i32
        %dma_start3A_95 = arith.constant 0 : i32
        %dma_start3A_96 = tpu.memref_slice %arg6[%add3A_94, %dma_start3A_95] : memref<200x128xi32, #tpu.memory_space<vmem>> -> memref<1x128xi32, #tpu.memory_space<vmem>>
        %dma_start3A_97 = tpu.memref_squeeze %dma_start3A_96 : memref<1x128xi32, #tpu.memory_space<vmem>> -> memref<128xi32, #tpu.memory_space<vmem>>
        %dma_start3A_98 = arith.constant 0 : i32
        %dma_start3A_99 = arith.constant 0 : i32
        %dma_start3A_100 = tpu.memref_slice %arg4[%dma_start3A_98, %dma_start3A_99] : memref<100000x128xf32, #tpu.memory_space<hbm>> -> memref<100000x128xf32, #tpu.memory_space<hbm>>
        tpu.enqueue_indirect_dma source(%dma_start3A_100 : memref<100000x128xf32, #tpu.memory_space<hbm>>) target(%arg9 : memref<128x128xf32, #tpu.memory_space<vmem>>) offsets(%dma_start3A_97 : memref<128xi32, #tpu.memory_space<vmem>>) semaphore(%arg13 : memref<!tpu.dma_semaphore, #tpu.memory_space<semaphore_mem>>)
      } else {
      }
      %add3A_78 = arith.constant 3 : i32
      %add3A_79 = arith.addi %add3A_38, %add3A_78 : i32
      %dma_wait3A_80 = arith.constant 0 : i32
      %dma_wait3A_81 = tpu.memref_slice %arg6[%add3A_79, %dma_wait3A_80] : memref<200x128xi32, #tpu.memory_space<vmem>> -> memref<1x128xi32, #tpu.memory_space<vmem>>
      %dma_wait3A_82 = tpu.memref_squeeze %dma_wait3A_81 : memref<1x128xi32, #tpu.memory_space<vmem>> -> memref<128xi32, #tpu.memory_space<vmem>>
      %dma_wait3A_83 = arith.constant 0 : i32
      %dma_wait3A_84 = arith.constant 0 : i32
      %dma_wait3A_85 = tpu.memref_slice %arg4[%dma_wait3A_83, %dma_wait3A_84] : memref<100000x128xf32, #tpu.memory_space<hbm>> -> memref<100000x128xf32, #tpu.memory_space<hbm>>
      tpu.wait_indirect_dma semaphore(%arg14 : memref<!tpu.dma_semaphore, #tpu.memory_space<semaphore_mem>>) src(%dma_wait3A_85 : memref<100000x128xf32, #tpu.memory_space<hbm>>) dst(%arg10 : memref<128x128xf32, #tpu.memory_space<vmem>>)
      %add3A_86 = arith.constant 7 : i32
      %add3A_87 = arith.addi %add3A_38, %add3A_86 : i32
      %lt3A_88 = arith.constant 200 : i32
      %lt3A_89 = arith.cmpi slt, %add3A_87, %lt3A_88 : i32
      %convert_element_type3A_90 = arith.extui %lt3A_89 : i1 to i32
      %cond3A_91 = arith.constant 0 : i32
      %cond3A_92 = arith.cmpi ne, %convert_element_type3A_90, %cond3A_91 : i32
      scf.if %cond3A_92 {
        %add3A_93 = arith.constant 7 : i32
        %add3A_94 = arith.addi %add3A_38, %add3A_93 : i32
        %dma_start3A_95 = arith.constant 0 : i32
        %dma_start3A_96 = tpu.memref_slice %arg6[%add3A_94, %dma_start3A_95] : memref<200x128xi32, #tpu.memory_space<vmem>> -> memref<1x128xi32, #tpu.memory_space<vmem>>
        %dma_start3A_97 = tpu.memref_squeeze %dma_start3A_96 : memref<1x128xi32, #tpu.memory_space<vmem>> -> memref<128xi32, #tpu.memory_space<vmem>>
        %dma_start3A_98 = arith.constant 0 : i32
        %dma_start3A_99 = arith.constant 0 : i32
        %dma_start3A_100 = tpu.memref_slice %arg4[%dma_start3A_98, %dma_start3A_99] : memref<100000x128xf32, #tpu.memory_space<hbm>> -> memref<100000x128xf32, #tpu.memory_space<hbm>>
        tpu.enqueue_indirect_dma source(%dma_start3A_100 : memref<100000x128xf32, #tpu.memory_space<hbm>>) target(%arg10 : memref<128x128xf32, #tpu.memory_space<vmem>>) offsets(%dma_start3A_97 : memref<128xi32, #tpu.memory_space<vmem>>) semaphore(%arg14 : memref<!tpu.dma_semaphore, #tpu.memory_space<semaphore_mem>>)
      } else {
      }
    }
    %scan3A_33 = arith.constant 50 : i32
    "tpu.region"() ({
      %run_scoped3A = tpu.sem_alloc : memref<!tpu.dma_semaphore, #tpu.memory_space<semaphore_mem>>
      %dma_start3A_34 = arith.constant 0 : i32
      %dma_start3A_35 = tpu.memref_slice %arg5[%mul3A_2, %dma_start3A_34] : memref<4096x128xf32, #tpu.memory_space<hbm>> -> memref<128x128xf32, #tpu.memory_space<hbm>>
      %dma_start3A_36 = arith.constant 0 : i32
      %dma_start3A_37 = tpu.memref_slice %arg5[%mul3A_2, %dma_start3A_36] : memref<4096x128xf32, #tpu.memory_space<hbm>> -> memref<128x128xf32, #tpu.memory_space<hbm>>
      tpu.enqueue_dma source(%arg7 : memref<128x128xf32, #tpu.memory_space<vmem>>) target(%dma_start3A_37 : memref<128x128xf32, #tpu.memory_space<hbm>>) target_semaphore(%run_scoped3A : memref<!tpu.dma_semaphore, #tpu.memory_space<semaphore_mem>>)
      %dma_wait3A = arith.constant 0 : i32
      %dma_wait3A_38 = tpu.memref_slice %arg5[%mul3A_2, %dma_wait3A] : memref<4096x128xf32, #tpu.memory_space<hbm>> -> memref<128x128xf32, #tpu.memory_space<hbm>>
      %dma_wait3A_39 = arith.constant 0 : i32
      %dma_wait3A_40 = tpu.memref_slice %arg5[%mul3A_2, %dma_wait3A_39] : memref<4096x128xf32, #tpu.memory_space<hbm>> -> memref<128x128xf32, #tpu.memory_space<hbm>>
      tpu.wait_dma2 semaphore(%run_scoped3A : memref<!tpu.dma_semaphore, #tpu.memory_space<semaphore_mem>>) src(%arg7 : memref<128x128xf32, #tpu.memory_space<vmem>>) dst(%dma_wait3A_40 : memref<128x128xf32, #tpu.memory_space<hbm>>)
      tpu.yield
    }) : () -> ()
    return
  }
}

</mosaic_0001>

<sc_bundles>
// kernel: kernel.3.cloned.1.call-start
scs
__scs_entry_jumppad:
0x0: {  	(pc) =	sbr.rel $0x88, $3  }
0x1: {  	(tag) =	ssettag $0x0;
	lr =	simm.s32 $0x1  }
0x2: {  	[smem:$0x3F9E] =	sst lr;
	_ =	strace $0xD0000000  }
0x3: {  	_ = 	snop  }
0x4: {  	_ = 	snop  }
0x5: {  	_ = 	snop  }
0x6: {  	_ = 	snop  }
0x7: {  	_ = 	snop  }
__scs_overlays_trampoline_lowered:
0x8: {  	[smem:$0x3FAD] =	sst s0  }
0x9: {  	[smem:$0x3FAE] =	sst s1  }
0xa: {  	[smem:$0x3FAF] =	sst s2  }
0xb: {  	[smem:$0x3FB0] =	sst s3  }
0xc: {  	[smem:$0x3FB1] =	sst s4  }
0xd: {  	[smem:$0x3FB2] =	sst s5  }
0xe: {  	[smem:$0x3FB3] =	sst s6  }
0xf: {  	[smem:$0x3FB4] =	sst s7  }
0x10: {  	[smem:$0x3FB5] =	sst s8  }
0x11: {  	[smem:$0x3FB6] =	sst s9;
	s0 =	simm.s32 @!p0 $0x0  }
0x12: {  	s1 =	sld [smem:$0x3F9C];
	s0 =	simm.s32 @p0 $0x1  }
0x13: {  	[smem:$0x3FB7] =	sst s0;
	s0 =	simm.s32 @!p1 $0x0  }
0x14: {  	s2 =	sld [smem:$0x3F9B];
	s0 =	simm.s32 @p1 $0x1  }
0x15: {  	[smem:$0x3FB8] =	sst s0;
	s0 =	simm.s32 @!p2 $0x0  }
0x16: {  	s3 =	sld [smem:$0x3FDB];
	s0 =	simm.s32 @p2 $0x1  }
0x17: {  	s4 =	simm.s32 $0x1BF5;
	[smem:$0x3FBA] =	sst s0  }
0x18: {  	s0 =	sld [smem:$0x3F9D];
	_ =	swait.ge [sflag:s4], $0x0  }
0x19: {  	s7 =	sld [smem:$0x3F9E]  }
0x1a: {  	s8 =	sadd.s32 $0xFFFFE003, lr  }
0x1b: {  	s9 =	sadd.s32 $0xFFFFFEF7, lr;
	s5 =	simm.s32 $0xFFFFFFFF;
	p2 =	slt.u32 s8, $0xFFFFF086  }
0x1c: {  	p1 =	slt.u32 s9, $0xF7A;
	s5 =	simm.s32 @!p2 $0x0  }
0x1d: {  	s5 =	simm.s32 @p1 $0x1;
	p0 =	seq.s32 s7, s2  }
0x1e: {  	s7 =	smul.u32 @!p0 $0xF7A, s2;
	p2 =	seq.s32 @!p0 s5, $0x0  }
0x1f: {  	s9 =	smul.u32 $0xF7A, s1;
	s8 =	simm.s32 @!p0 $0x1BF5;
	p2 =	por !p2, p0  }
0x20: {  	[sflag:s8] =	ssyncset.s32 @!p0 $0xFFFFF086;
	s6 =	sadd.s32 @!p0 s3, s7;
	s7 =	simm.s32 @!p0 $0x108  }
0x21: {  	s3 =	sadd.s32 s3, s9;
	s6 =	sadd.s32 @!p0 $0x88, s6;
	s7 =	simm.s32 @p2 $0x1082  }
0x22: {  	[simem:s7], [sflag:s8] =	dma.local @!p0 [hbm:s6], $0xF7A  }
0x23: {  	s9 =	sor.u32 $0xD0000000, s2;
	s6 =	simm.s32 $0x108;
	_ =	swait.ge @!p0 [sflag:s8], $0x0  }
0x24: {  	s3 =	sadd.s32 $0x88, s3;
	s6 =	simm.s32 @!p1 $0x1082;
	[sflag:s4] =	ssyncset.s32 $0xFFFFF086  }
0x25: {  	[simem:s6], [sflag:s4] =	dma.local [hbm:s3], $0xF7A  }
0x26: {  	[smem:$0x3F9E] =	sst s1;
	(tag) =	ssettag s2;
	_ =	strace s9  }
0x27: {  	s1 =	sld [smem:$0x3FAE]  }
0x28: {  	s2 =	sld [smem:$0x3FAF]  }
0x29: {  	s4 =	sld [smem:$0x3FB1]  }
0x2a: {  	p0 =	seq.s32 s5, $0x0;
	s5 =	sld [smem:$0x3FB2]  }
0x2b: {  	s6 =	sld [smem:$0x3FB3]  }
0x2c: {  	s7 =	sld [smem:$0x3FB4]  }
0x2d: {  	s3 =	simm.s32 $0x108;
	s8 =	sld [smem:$0x3FB5]  }
0x2e: {  	s3 =	simm.s32 @!p0 $0x1082;
	s9 =	sld [smem:$0x3FB6]  }
0x2f: {  	lr =	sadd.s32 s0, s3;
	s0 =	sld [smem:$0x3FAD]  }
0x30: {  	s3 =	sld [smem:$0x3FB0]  }
0x31: {  	[smem:$0x3FB9] =	sst s10  }
0x32: {  	s10 =	sld [smem:$0x3FB7];
	_ =	sdelay $0x3  }
0x33: {  	p0 =	seq.s32 s10, $0x1;
	s10 =	sld [smem:$0x3FB9];
	_ =	sdelay $0x3  }
0x34: {  	[smem:$0x3FB9] =	sst s10  }
0x35: {  	s10 =	sld [smem:$0x3FB8];
	_ =	sdelay $0x3  }
0x36: {  	p1 =	seq.s32 s10, $0x1;
	s10 =	sld [smem:$0x3FB9];
	_ =	sdelay $0x3  }
0x37: {  	[smem:$0x3FB9] =	sst s10  }
0x38: {  	s10 =	sld [smem:$0x3FBA]  }
0x39: {  	_ = 	snop;
	(pc) =	sbr.ind lr, $3  }
0x3a: {  	_ = 	snop  }
0x3b: {  	_ = 	snop  }
0x3c: {  	p2 =	seq.s32 s10, $0x1;
	s10 =	sld [smem:$0x3FB9]  }
0x3d: {  	_ =	shalt  }
0x3e: {  	_ =	shalt  }
0x3f: {  	_ =	shalt  }
0x40: {  	_ =	shalt  }
0x41: {  	_ =	shalt  }
0x42: {  	_ =	shalt  }
0x43: {  	_ =	shalt  }
0x44: {  	_ =	shalt  }
0x45: {  	_ =	shalt  }
0x46: {  	_ =	shalt  }
0x47: {  	_ =	shalt  }
0x48: {  	_ =	shalt  }
0x49: {  	_ =	shalt  }
0x4a: {  	_ =	shalt  }
0x4b: {  	_ =	shalt  }
0x4c: {  	_ =	shalt  }
0x4d: {  	_ =	shalt  }
0x4e: {  	_ =	shalt  }
0x4f: {  	_ =	shalt  }
0x50: {  	_ =	shalt  }
0x51: {  	_ =	shalt  }
0x52: {  	_ =	shalt  }
0x53: {  	_ =	shalt  }
0x54: {  	_ =	shalt  }
0x55: {  	_ =	shalt  }
0x56: {  	_ =	shalt  }
0x57: {  	_ =	shalt  }
0x58: {  	_ =	shalt  }
0x59: {  	_ =	shalt  }
0x5a: {  	_ =	shalt  }
0x5b: {  	_ =	shalt  }
0x5c: {  	_ =	shalt  }
0x5d: {  	_ =	shalt  }
0x5e: {  	_ =	shalt  }
0x5f: {  	_ =	shalt  }
0x60: {  	_ =	shalt  }
0x61: {  	_ =	shalt  }
0x62: {  	_ =	shalt  }
0x63: {  	_ =	shalt  }
0x64: {  	_ =	shalt  }
0x65: {  	_ =	shalt  }
0x66: {  	_ =	shalt  }
0x67: {  	_ =	shalt  }
0x68: {  	_ =	shalt  }
0x69: {  	_ =	shalt  }
0x6a: {  	_ =	shalt  }
0x6b: {  	_ =	shalt  }
0x6c: {  	_ =	shalt  }
0x6d: {  	_ =	shalt  }
0x6e: {  	_ =	shalt  }
0x6f: {  	_ =	shalt  }
0x70: {  	_ =	shalt  }
0x71: {  	_ =	shalt  }
0x72: {  	_ =	shalt  }
0x73: {  	_ =	shalt  }
0x74: {  	_ =	shalt  }
0x75: {  	_ =	shalt  }
0x76: {  	_ =	shalt  }
0x77: {  	_ =	shalt  }
0x78: {  	_ =	shalt  }
0x79: {  	_ =	shalt  }
0x7a: {  	_ =	shalt  }
0x7b: {  	_ =	shalt  }
0x7c: {  	_ =	shalt  }
0x7d: {  	_ =	shalt  }
0x7e: {  	_ =	shalt  }
0x7f: {  	_ =	shalt  }
0x80: {  	_ =	shalt  }
0x81: {  	_ =	shalt  }
0x82: {  	_ =	shalt  }
0x83: {  	_ =	shalt  }
0x84: {  	_ =	shalt  }
0x85: {  	_ =	shalt  }
0x86: {  	_ =	shalt  }
0x87: {  	_ =	shalt  }
.Lfunc_end0:
.L_simem_size_0:
called_computation_lowered:
.L_overlay_start_0:
0x88: {  	s2 =	sld [smem:$0x3FD9]  }
0x89: {  	s3 =	sld [smem:$0x3FFE];
	_ =	sdelay $0x1  }
0x8a: {  	s1 =	srdreg.scid  }
0x8b: {  	s0 =	sand.u32 $0x1, s1  }
0x8c: {  	s18 =	sshll.u32 s0, $0xA;
	s2 =	sadd.s32 s3, s2  }
0x8d: {  	s2 =	sadd.s32 s2, s18  }
0x8e: {  	[smem:$0x3FC5] =	sst s2  }
0x8f: {  	_ = 	snop  }
0x90: {  	s2 =	sld [smem:$0x3FC9]  }
0x91: {  	s19 =	sld [smem:$0x3FC7]  }
0x92: {  	s4 =	sld [smem:$0x3FD0];
	(tm) =	ssettm $0x1  }
0x93: {  	s5 =	sld [smem:$0x3FFB];
	_ =	sdelay $0x3  }
0x94: {  	_ =	strace s5  }
0x95: {  	s5 =	sld [smem:$0x3FFC];
	_ =	sdelay $0x3  }
0x96: {  	_ =	strace s5  }
0x97: {  	s5 =	sld [smem:$0x3FFD];
	_ =	sdelay $0x3  }
0x98: {  	_ =	strace s5  }
0x99: {  	_ =	strace $0x8FFFFFFF  }
0x9a: {  	s20 =	sld [smem:$0x3FDB];
	_ =	sdelay $0x1  }
0x9b: {  	s6 =	simm.s32 $_scs_section_size  }
0x9c: {  	s7 =	simm.s32 $_size__tile_overlayer_lowered;
	s8 =	simm.s32 $_tile_overlayer_lowered  }
0x9d: {  	s23 =	simm.s32 $0x1BFF;
	s22 =	sshll.u32 s8, $0x1;
	s5 =	sadd.s32 s6, s20  }
0x9e: {  	s9 =	simm.s32 $0x0;
	s21 =	sshll.u32 s7, $0x1;
	s7 =	sadd.s32 s22, s5  }
0x9f: {  	[timem:s9], [sflag:s23] =	dma.local [hbm:s7], s21  }
0xa0: {  	_ =	swait.ge [sflag:s23], s21  }
0xa1: {  	s6 =	ssub.s32 $0x0, s21;
	[sflag:s23] =	ssyncset.done $0x0  }
0xa2: {  	[sflag:s23] =	ssyncadd.s32 s6;
	_ =	sdelay $0x1  }
0xa3: {  	s24 =	simm.s32 $0x1B8B  }
0xa4: {  	_ =	swait.ge [sflag:s24], $0x1  }
0xa5: {  	[sflag:s24] =	ssyncset.done $0x0  }
0xa6: {  	s25 =	simm.s32 $0x1B8E;
	[sflag:s24] =	ssyncadd.s32 $0xFFFFFFFF  }
0xa7: {  	s26 =	simm.s32 $execute0_lowered;
	[smem:$0x3FD2] =	sst s25  }
0xa8: {  	s6 =	sshll.u32 s26, $0x1;
	_ =	strace $0x80000046;
	[dreg:$0x1] =	wrdreg $0xFFFFFFFF  }
0xa9: {  	s28 =	simm.s32 $_size_execute0_lowered;
	s5 =	sadd.s32 s5, s6;
	[dreg:$0x0] =	wrdreg $0x0  }
0xaa: {  	s6 =	sshll.u32 s28, $0x1;
	[dreg:$0x2] =	wrdreg s5  }
0xab: {  	[dreg:$0x3] =	wrdreg s6  }
0xac: {  	[dreg:$0x4] =	wrdreg $0xC0  }
0xad: {  	_ =	task [dreg:s9], $0x5FFFF  }
0xae: {  	[dreg:$0x1] =	wrdreg $0xFFFFFFFF  }
0xaf: {  	[dreg:$0x0] =	wrdreg $0x60  }
0xb0: {  	[dreg:$0x2] =	wrdreg s2  }
0xb1: {  	[dreg:$0x3] =	wrdreg s19  }
0xb2: {  	[dreg:$0x4] =	wrdreg s4  }
0xb3: {  	[dreg:$0x5] =	wrdreg $0x9  }
0xb4: {  	_ =	task.clear_ibuf [dreg:s9], $0x6FFFF;
	_ =	strace $0x90000046  }
0xb5: {  	s29 =	simm.s32 $0x9;
	_ =	strace $0x80000048  }
0xb6: {  	_ =	swait.ge [sflag:s29], $0x1  }
0xb7: {  	[sflag:s29] =	ssyncadd.s32 $0xFFFFFFFF  }
0xb8: {  	_ =	strace $0x90000048  }
0xb9: {  	_ =	sfence  }
0xba: {  	s30 =	sld [smem:$0x0];
	_ =	sdelay $0x2  }
0xbb: {  	s31 =	sshll.u32 s1, $0xD;
	s1 =	sshrl.u32 s1, $0x2  }
0xbc: {  	s3 =	sand.u32 $0x4000, s31;
	s1 =	sadd.s32 s1, s30  }
0xbd: {  	s0 =	sor.u32 s3, s0;
	s1 =	sshll.u32 s1, $0x11  }
0xbe: {  	s0 =	sor.u32 s1, s0  }
0xbf: {  	s0 =	sadd.s32 $0x8F2B, s0  }
0xc0: {  	[sflag:s0] =	ssyncadd.remote.s32 $0x1  }
0xc1: {  	_ =	sfence.sel $0xFFFF  }
0xc2: {  	[dreg:$0x0] =	wrdreg $0xFFFFFFFF;
	(pc) =	sbr.abs _section_cstart, $3  }
0xc3: {  	[dreg:$0x1] =	wrdreg $0xFFFFFFFF  }
0xc4: {  	_ =	task.clear_ibuf [dreg:s9], $0x2FFFF;
	_ =	strace $0x9FFFFFFF  }
0xc5: {  	(tm) =	ssettm $0x7FFFFFFF  }
tec
execute0_lowered:
.L_overlay_start_1:
0x0: {  	(tag) =	ssettag $0x1  }
0x1: {  	s4 =	rddreg [dreg:$0x0]  }
0x2: {  	s1 =	rddreg [dreg:$0x1]  }
0x3: {  	s5 =	rddreg [dreg:$0x2]  }
0x4: {  	s0 =	rddreg [dreg:$0x3];
	s6 =	srdreg.scid  }
0x5: {  	s3 =	simm.s32 $0x0;
	s2 =	stileid.u32;
	s10 =	simm.s32 $0x80  }
0x6: {  	s11 =	simm.s32 $0x6400;
	s12 =	simm.s32 $0xA400;
	s13 =	simm.s32 $0x100  }
0x7: {  	s14 =	simm.s32 $0xE400;
	s15 =	simm.s32 $0x180;
	s16 =	simm.s32 $0x12400  }
0x8: {  	s17 =	simm.s32 $0x1;
	s18 =	simm.s32 $0x2;
	s19 =	simm.s32 $0x3  }
0x9: {  	s20 =	simm.s32 $0x4;
	s21 =	simm.s32 $0x0;
	s6 =	sand.u32 $0x1, s6  }
0xa: {  	s8 =	sshll.u32 s2, $0x7;
	s7 =	ssub.s32 $0x2, s6;
	s6 =	sshll.u32 s6, $0xB  }
0xb: {  	[smem:$0x7FF] =	sst s3;
	s9 =	sshrl.u32 s7, $0x1;
	s6 =	sor.u32 s8, s6  }
0xc: {  	_ =	strace $0x80000047;
	s7 =	ssub.s32 s7, s9;
	s8 =	sshll.u32 s6, $0x4  }
0xd: {  	s4 =	sadd.s32 s4, s6;
	s9 =	simm.s32 $0x5;
	s5 =	sadd.s32 s5, s8  }
0xe: {  	s6 =	smax.u32 s7, $0x1;
	s7 =	simm.s32 $0x400;
	s8 =	simm.s32 $0x8000  }
.LBB2_1:
0xf: {  	[tilespmem:s3], [sflag:$0x5] =	stream.strided.gather [hbm4b:s4+s7], $0x6400, s8, s7, $0x38;
	[tilespmem:$0x16400] =	vst v63  }
0x10: {  	_ =	swait.ge [sflag:s9], $0x6400  }
0x11: {  	[sflag:s9] =	ssyncset.done $0x0  }
0x12: {  	[sflag:s9] =	ssyncadd.s32 $0xFFFF9C00  }
0x13: {  	[tilespmem:s11], [sflag:$0x1] =	stream.indirect.gather [hbm4b:s1+s10], $0x80, s3, s10, $0xb8;
	[tilespmem:$0x16400] =	vst v63  }
0x14: {  	_ = 	snop  }
0x15: {  	[tilespmem:s12], [sflag:$0x2] =	stream.indirect.gather [hbm4b:s1+s10], $0x80, s10, s10, $0xb8;
	[tilespmem:$0x16400] =	vst v63  }
0x16: {  	_ = 	snop  }
0x17: {  	[tilespmem:s14], [sflag:$0x3] =	stream.indirect.gather [hbm4b:s1+s10], $0x80, s13, s10, $0xb8;
	[tilespmem:$0x16400] =	vst v63  }
0x18: {  	_ = 	snop  }
0x19: {  	[tilespmem:s16], [sflag:$0x4] =	stream.indirect.gather [hbm4b:s1+s10], $0x80, s15, s10, $0xb8;
	[tilespmem:$0x16400] =	vst v63  }
0x1a: {  	_ =	swait.ge [sflag:s17], $0x4000  }
0x1b: {  	[sflag:s17] =	ssyncset.done $0x0  }
0x1c: {  	s22 =	simm.s32 $0x200;
	[sflag:s17] =	ssyncadd.s32 $0xFFFFC000  }
0x1d: {  	[tilespmem:s11], [sflag:$0x1] =	stream.indirect.gather [hbm4b:s1+s10], $0x80, s22, s10, $0xb8;
	[tilespmem:$0x16400] =	vst v63  }
0x1e: {  	_ =	swait.ge [sflag:s18], $0x4000  }
0x1f: {  	[sflag:s18] =	ssyncset.done $0x0  }
0x20: {  	s30 =	simm.s32 $0x280;
	[sflag:s18] =	ssyncadd.s32 $0xFFFFC000  }
0x21: {  	[tilespmem:s12], [sflag:$0x2] =	stream.indirect.gather [hbm4b:s1+s10], $0x80, s30, s10, $0xb8;
	[tilespmem:$0x16400] =	vst v63  }
0x22: {  	_ =	swait.ge [sflag:s19], $0x4000  }
0x23: {  	[sflag:s19] =	ssyncset.done $0x0  }
0x24: {  	s31 =	simm.s32 $0x300;
	[sflag:s19] =	ssyncadd.s32 $0xFFFFC000  }
0x25: {  	[tilespmem:s14], [sflag:$0x3] =	stream.indirect.gather [hbm4b:s1+s10], $0x80, s31, s10, $0xb8;
	[tilespmem:$0x16400] =	vst v63  }
0x26: {  	_ =	swait.ge [sflag:s20], $0x4000  }
0x27: {  	[sflag:s20] =	ssyncset.done $0x0  }
0x28: {  	s23 =	simm.s32 $0x380;
	s22 =	simm.s32 $0xFFFE8000;
	[sflag:s20] =	ssyncadd.s32 $0xFFFFC000  }
.LBB2_2:
0x29: {  	[tilespmem:s16], [sflag:$0x4] =	stream.indirect.gather [hbm4b:s1+s10], $0x80, s23, s10, $0xb8;
	[tilespmem:$0x16400] =	vst v63  }
0x2a: {  	s23 =	smov.u32 s22  }
0x2b: {  	p0 =	sne.s32 s22, $0xFFFFF800;
	s22 =	sadd.s32 $0x800, s22;
	_ =	swait.ge [sflag:s17], $0x4000  }
0x2c: {  	s23 =	sshra.s32 s23, $0x2;
	[sflag:s17] =	ssyncset.done $0x0  }
0x2d: {  	s24 =	sadd.s32 $0x6400, s23;
	[sflag:s17] =	ssyncadd.s32 $0xFFFFC000  }
0x2e: {  	[tilespmem:s11], [sflag:$0x1] =	stream.indirect.gather [hbm4b:s1+s10], $0x80, s24, s10, $0xb8;
	[tilespmem:$0x16400] =	vst v63  }
0x2f: {  	_ =	swait.ge [sflag:s18], $0x4000  }
0x30: {  	[sflag:s18] =	ssyncset.done $0x0  }
0x31: {  	s24 =	sadd.s32 $0x6480, s23;
	[sflag:s18] =	ssyncadd.s32 $0xFFFFC000  }
0x32: {  	[tilespmem:s12], [sflag:$0x2] =	stream.indirect.gather [hbm4b:s1+s10], $0x80, s24, s10, $0xb8;
	[tilespmem:$0x16400] =	vst v63  }
0x33: {  	_ =	swait.ge [sflag:s19], $0x4000  }
0x34: {  	[sflag:s19] =	ssyncset.done $0x0  }
.Ltmp0:
0x35: {  	s24 =	sadd.s32 $0x6500, s23;
	[sflag:s19] =	ssyncadd.s32 $0xFFFFC000;
	(pc) =	sbr.rel @p0 .LBB2_2-.Ltmp0, $4  }
0x36: {  	[tilespmem:s14], [sflag:$0x3] =	stream.indirect.gather [hbm4b:s1+s10], $0x80, s24, s10, $0xb8;
	[tilespmem:$0x16400] =	vst v63  }
0x37: {  	_ =	swait.ge [sflag:s20], $0x4000  }
0x38: {  	[sflag:s20] =	ssyncset.done $0x0  }
0x39: {  	s23 =	sadd.s32 $0x6580, s23;
	[sflag:s20] =	ssyncadd.s32 $0xFFFFC000  }
0x3a: {  	[tilespmem:s16], [sflag:$0x4] =	stream.indirect.gather [hbm4b:s1+s10], $0x80, s23, s10, $0xb8;
	[tilespmem:$0x16400] =	vst v63  }
0x3b: {  	_ =	swait.ge [sflag:s17], $0x4000  }
0x3c: {  	[sflag:s17] =	ssyncset.done $0x0  }
0x3d: {  	[sflag:s17] =	ssyncadd.s32 $0xFFFFC000  }
0x3e: {  	_ =	swait.ge [sflag:s18], $0x4000  }
0x3f: {  	[sflag:s18] =	ssyncset.done $0x0  }
0x40: {  	[sflag:s18] =	ssyncadd.s32 $0xFFFFC000  }
0x41: {  	_ =	swait.ge [sflag:s19], $0x4000  }
0x42: {  	[sflag:s19] =	ssyncset.done $0x0  }
0x43: {  	[sflag:s19] =	ssyncadd.s32 $0xFFFFC000  }
0x44: {  	s21 =	sadd.s32 $0x1, s21;
	_ =	swait.ge [sflag:s20], $0x4000  }
0x45: {  	p0 =	sne.s32 s21, s6;
	[sflag:s20] =	ssyncset.done $0x0  }
.Ltmp1:
0x46: {  	[sflag:s20] =	ssyncadd.s32 $0xFFFFC000;
	(pc) =	sbr.rel @p0 .LBB2_1-.Ltmp1, $4  }
0x47: {  	[hbm4b:s5+s3] =	stream.linear.scatter [tilespmem:s11], [sflag:$0x5], $0x4000, $0x38;
	[tilespmem:$0x16400] =	vst v63  }
0x48: {  	_ =	swait.ge [sflag:s9], $0x4000  }
0x49: {  	[sflag:s9] =	ssyncset.done $0x0  }
0x4a: {  	[sflag:s9] =	ssyncadd.s32 $0xFFFFC000  }
0x4b: {  	_ =	sfence.sel $0x180000  }
0x4c: {  	[bflag:$0x0] =	sbarrier.arrive $0xFFFF  }
0x4d: {  	p0 =	sne.s32 s2, $0x0;
	_ =	strace $0x90000047  }
0x4e: {  	s0 =	sadd.s32 @!p0 $0x100000, s0;
	[bflag:$0x2] =	sbarrier.arrive $0xFFFF  }
0x4f: {  	[sflag:s0] =	ssyncadd.tile.s32 @!p0 $0x1;
	_ =	shalt  }
.Lfunc_end2:
_tile_overlayer_lowered:
.L_overlay_start_2:
0x50: {  	(tag) =	ssettag $0x2  }
0x51: {  	s0 =	rddreg [dreg:$0x0];
	s2 =	stileid.u32  }
0x52: {  	s1 =	rddreg [dreg:$0x1];
	p0 =	sne.s32 s2, $0x0  }
0x53: {  	s3 =	rddreg [dreg:$0x2];
	[bflag:$0x3] =	sbarrier.arrive $0xFFFF;
	s2 =	simm.s32 @!p0 $0x1C05  }
0x54: {  	[timem:s3], [sflag:s2] =	dma.local @!p0 [hbm:s0], s1  }
0x55: {  	s0 =	simm.s32 @!p0 $0x5  }
0x56: {  	_ =	swait.ge @!p0 [sflag:s0], s1  }
0x57: {  	s1 =	ssub.s32 @!p0 $0x0, s1;
	[sflag:s0] =	ssyncset.done @!p0 $0x0  }
0x58: {  	[sflag:s0] =	ssyncadd.s32 @!p0 s1  }
0x59: {  	[bflag:$0x3] =	sbarrier.arrive $0xFFFF  }
0x5a: {  	_ =	shalt  }

</sc_bundles>
